<compile_context>
chip_gen: v7x
topology: tpu7x:2x2x1
jax: 0.10.2.dev20260603
libtpu: 0.0.44.dev20260713+nightly
codegen_flags: <defaults>
</compile_context>

<pallas_src>
import functools

import jax
import jax.numpy as jnp
from jax.experimental import pallas as pl

B = 1024
NOBJ = 11
V = 4000
VSUB = 600
NBB = 8
NKP = 16
K = 208


def _w_builder_kernel(ang_ref, go_ref, tr_ref, qi_ref, w_ref):
    a = ang_ref[0:1, :]
    ca = jnp.cos(a * 0.5)
    sa = jnp.sin(a * 0.5)
    gx = go_ref[0:1, :]
    gy = go_ref[1:2, :]
    gz = go_ref[2:3, :]
    ang = jnp.sqrt(gx * gx + gy * gy + gz * gz)
    half = ang * 0.5
    small = jnp.abs(ang) < 1e-6
    safe = jnp.where(small, jnp.ones_like(ang), ang)
    sho = jnp.where(small, 0.5 - ang * ang / 48.0, jnp.sin(half) / safe)
    qw = jnp.cos(half)
    qx = gx * sho
    qy = gy * sho
    qz = gz * sho
    tw = qw * ca + qz * sa
    tx = qx * ca - qy * sa
    ty = qy * ca + qx * sa
    tz = qz * ca - qw * sa

    def mat(w, x, y, z):
        return [[1 - 2 * (y * y + z * z), 2 * (x * y - w * z), 2 * (x * z + w * y)],
                [2 * (x * y + w * z), 1 - 2 * (x * x + z * z), 2 * (y * z - w * x)],
                [2 * (x * z - w * y), 2 * (y * z + w * x), 1 - 2 * (x * x + y * y)]]

    mt = mat(tw, tx, ty, tz)
    mb = mat(qw, qx, qy, qz)
    qi = qi_ref[0:1, :]
    oids = jax.lax.broadcasted_iota(jnp.int32, (NOBJ, B), 0)
    onehot = (oids == qi).astype(jnp.float32)
    for k in range(3):
        for j in range(3):
            c = (k * 3 + j) * NOBJ
            w_ref[c:c + NOBJ, :] = onehot * mt[j][k]
            w_ref[102 + c:102 + c + NOBJ, :] = onehot * mb[j][k]
    w_ref[99:102, :] = tr_ref[...]
    w_ref[201:K, :] = jnp.zeros((K - 201, B), jnp.float32)


def _matmul_kernel(w_ref, r2v_ref, r2vs_ref, r2sm_ref, v_ref, vs_ref, sm_ref):
    w = w_ref[...]
    v_ref[...] = jnp.dot(w, r2v_ref[...], preferred_element_type=jnp.float32)
    vs_ref[...] = jnp.dot(w, r2vs_ref[...], preferred_element_type=jnp.float32)
    sm_ref[...] = jnp.dot(w, r2sm_ref[...], preferred_element_type=jnp.float32)


def _roll_blocks(flat_top, flat_bot, m):
    lane = jax.lax.broadcasted_iota(jnp.int32, (1, m), 1) % 3
    tops, bots = [], []
    for k in range(3):
        for j in range(3):
            lm = (lane == j).astype(jnp.float32)
            tops.append(jnp.roll(flat_top, j - k, axis=1) * lm)
            bots.append(jnp.roll(flat_bot, j - k, axis=1) * lm)
    trows = jnp.concatenate(
        [(lane == jj).astype(jnp.float32) for jj in range(3)], axis=0)
    return jnp.concatenate(tops, axis=0), trows, jnp.concatenate(bots, axis=0)


def _build_r2_masked(tab, mask_top, n):
    m = 3 * n
    mt = mask_top.astype(jnp.float32)[..., None]
    flat_top = (tab * mt).reshape(NOBJ, m)
    flat_bot = (tab * (1.0 - mt)).reshape(NOBJ, m)
    top99, trows, bot99 = _roll_blocks(flat_top, flat_bot, m)
    return jnp.concatenate(
        [top99, trows, bot99, jnp.zeros((K - 201, m), jnp.float32)], axis=0)


def _build_r2_pair(tab_top, tab_bot, n):
    m = 3 * n
    z = jnp.zeros((NOBJ, m), jnp.float32)
    ft = jnp.concatenate([tab_top.reshape(NOBJ, m), z], axis=1)
    fb = jnp.concatenate([z, tab_bot.reshape(NOBJ, m)], axis=1)
    top99, trows, bot99 = _roll_blocks(ft, fb, 2 * m)
    return jnp.concatenate(
        [top99, trows, bot99, jnp.zeros((K - 201, 2 * m), jnp.float32)], axis=0)


@functools.partial(jax.jit, static_argnames=())
def kernel(angles, global_orient, transl, query_idx, v, v_sub, bbox_top,
           bbox_bottom, kp_top, kp_bottom, parts_ids, parts_sub_ids):
    ang_t = angles.reshape(B, 1).T
    go_t = global_orient.T
    tr_t = transl.T
    qi_t = query_idx.astype(jnp.int32).reshape(B, 1).T

    w_t = pl.pallas_call(
        _w_builder_kernel,
        out_shape=jax.ShapeDtypeStruct((K, B), jnp.float32),
    )(ang_t, go_t, tr_t, qi_t)
    w = w_t.T

    r2v = _build_r2_masked(v, parts_ids == 1, V)
    r2vs = _build_r2_masked(v_sub, parts_sub_ids == 1, VSUB)
    r2bb = _build_r2_pair(bbox_top, bbox_bottom, NBB)
    r2kp = _build_r2_pair(kp_top, kp_bottom, NKP)
    r2sm = jnp.concatenate([r2bb, r2kp], axis=1)

    mv, mvs, msm = 3 * V, 3 * VSUB, 3 * (2 * NBB + 2 * NKP)
    bb = 128
    grid = (B // bb,)
    v_flat, vs_flat, sm_flat = pl.pallas_call(
        _matmul_kernel,
        grid=grid,
        in_specs=[
            pl.BlockSpec((bb, K), lambda i: (i, 0)),
            pl.BlockSpec((K, mv), lambda i: (0, 0)),
            pl.BlockSpec((K, mvs), lambda i: (0, 0)),
            pl.BlockSpec((K, msm), lambda i: (0, 0)),
        ],
        out_specs=[
            pl.BlockSpec((bb, mv), lambda i: (i, 0)),
            pl.BlockSpec((bb, mvs), lambda i: (i, 0)),
            pl.BlockSpec((bb, msm), lambda i: (i, 0)),
        ],
        out_shape=[
            jax.ShapeDtypeStruct((B, mv), jnp.float32),
            jax.ShapeDtypeStruct((B, mvs), jnp.float32),
            jax.ShapeDtypeStruct((B, msm), jnp.float32),
        ],
    )(w, r2v, r2vs, r2sm)

    v_out = v_flat.reshape(B, V, 3)
    vs_out = vs_flat.reshape(B, VSUB, 3)
    bbox3d = sm_flat[:, :3 * 2 * NBB].reshape(B, 2 * NBB, 3)
    kp3d = sm_flat[:, 3 * 2 * NBB:].reshape(B, 2 * NKP, 3)
    return v_out, vs_out, bbox3d, kp3d

# --- scband reference (transcript-rebuilt; emitter-appended) ---
"""Pipeline reference for scband-object-tensors-86672440033372 (READ-ONLY COPY).

The authoritative reference and input builder live on the scoring server;
editing this copy changes nothing except your own understanding.
"""

import jax, jax.numpy as jnp
import numpy as np

B = 1024
NOBJ = 11
V = 4000
VSUB = 600
NBB = 8
NKP = 16


def axis_angle_to_quaternion(axis_angle):
    angles = jnp.sqrt(jnp.sum(axis_angle * axis_angle, axis=-1, keepdims=True))
    half_angles = angles * 0.5
    eps = 1e-06
    small = jnp.abs(angles) < eps
    safe_angles = jnp.where(small, jnp.ones_like(angles), angles)
    sin_half_over = jnp.where(small, 0.5 - angles * angles / 48.0, jnp.sin(half_angles) / safe_angles)
    return jnp.concatenate([jnp.cos(half_angles), axis_angle * sin_half_over], axis=-1)


def quaternion_raw_multiply(a, b):
    aw, ax, ay, az = a[..., 0], a[..., 1], a[..., 2], a[..., 3]
    bw, bx, by, bz = b[..., 0], b[..., 1], b[..., 2], b[..., 3]
    ow = aw * bw - ax * bx - ay * by - az * bz
    ox = aw * bx + ax * bw + ay * bz - az * by
    oy = aw * by - ax * bz + ay * bw + az * bx
    oz = aw * bz + ax * by - ay * bx + az * bw
    return jnp.stack([ow, ox, oy, oz], axis=-1)


def quaternion_invert(q):
    return q * jnp.array([1.0, -1.0, -1.0, -1.0], dtype=q.dtype)


def quaternion_apply(q, point):
    real = jnp.zeros(point.shape[:-1] + (1,), dtype=point.dtype)
    pq = jnp.concatenate([real, point], axis=-1)
    out = quaternion_raw_multiply(quaternion_raw_multiply(q, pq), quaternion_invert(q))
    return out[..., 1:]


def setup_inputs(seed: int = 0):
    key = jax.random.key(seed)
    ks = jax.random.split(key, 12)
    inp = {}
    inp['angles'] = jax.random.uniform(ks[0], (B, 1), dtype=jnp.float32, minval=-np.pi, maxval=np.pi)
    inp['global_orient'] = jax.random.normal(ks[1], (B, 3), dtype=jnp.float32)
    inp['transl'] = jax.random.normal(ks[2], (B, 3), dtype=jnp.float32) * 0.1
    inp['query_idx'] = jax.random.randint(ks[3], (B,), 0, NOBJ)
    # object template buffers (built in __init__ via construct_obj_tensors)
    inp['v'] = jax.random.normal(ks[4], (NOBJ, V, 3), dtype=jnp.float32) * 0.05
    inp['v_sub'] = jax.random.normal(ks[5], (NOBJ, VSUB, 3), dtype=jnp.float32) * 0.05
    inp['bbox_top'] = jax.random.normal(ks[6], (NOBJ, NBB, 3), dtype=jnp.float32) * 0.05
    inp['bbox_bottom'] = jax.random.normal(ks[7], (NOBJ, NBB, 3), dtype=jnp.float32) * 0.05
    inp['kp_top'] = jax.random.normal(ks[8], (NOBJ, NKP, 3), dtype=jnp.float32) * 0.05
    inp['kp_bottom'] = jax.random.normal(ks[9], (NOBJ, NKP, 3), dtype=jnp.float32) * 0.05
    inp['parts_ids'] = jax.random.randint(ks[10], (NOBJ, V), 1, 3)
    inp['parts_sub_ids'] = jax.random.randint(ks[11], (NOBJ, VSUB), 1, 3)
    return inp


def reference(angles, global_orient, transl, query_idx, v, v_sub, bbox_top, bbox_bottom, kp_top, kp_bottom, parts_ids, parts_sub_ids):
    z_axis = jnp.array([[0.0, 0.0, -1.0]], dtype=jnp.float32)
    quat_arti = axis_angle_to_quaternion(z_axis * angles)
    quat_global = axis_angle_to_quaternion(global_orient.reshape(-1, 3))

    v_g = jnp.take(v, query_idx, axis=0)
    vs_g = jnp.take(v_sub, query_idx, axis=0)
    bt_g = jnp.take(bbox_top, query_idx, axis=0)
    bb_g = jnp.take(bbox_bottom, query_idx, axis=0)
    kt_g = jnp.take(kp_top, query_idx, axis=0)
    kb_g = jnp.take(kp_bottom, query_idx, axis=0)

    def arti(x):
        return quaternion_apply(quat_arti[:, None, :], x)

    def glob(x):
        return quaternion_apply(quat_global[:, None, :], x) + transl[:, None, :]

    v_top = glob(arti(v_g))
    v_bot = glob(v_g)
    vs_top = glob(arti(vs_g))
    vs_bot = glob(vs_g)
    bt = glob(arti(bt_g))
    bb = glob(bb_g)
    kt = glob(arti(kt_g))
    kb = glob(kb_g)

    pid = jnp.take(parts_ids, query_idx, axis=0)
    psid = jnp.take(parts_sub_ids, query_idx, axis=0)
    v_out = jnp.where((pid == 1)[..., None], v_top, v_bot)
    vs_out = jnp.where((psid == 1)[..., None], vs_top, vs_bot)
    bbox3d = jnp.concatenate([bt, bb], axis=1)
    kp3d = jnp.concatenate([kt, kb], axis=1)
    return v_out, vs_out, bbox3d, kp3d

if __name__ == "__main__":
    import jax
    _d = setup_inputs()
    print(jax.jit(kernel)(*tuple(_d.values())))

</pallas_src>

<mosaic_0001>
module attributes {stable_mosaic.version = 14 : i64} {
  func.func @_w_builder_kernel(%arg0: memref<1x1024xf32, #tpu.memory_space<vmem>>, %arg1: memref<3x1024xf32, #tpu.memory_space<vmem>>, %arg2: memref<3x1024xf32, #tpu.memory_space<vmem>>, %arg3: memref<1x1024xi32, #tpu.memory_space<vmem>>, %arg4: memref<208x1024xf32, #tpu.memory_space<vmem>>) attributes {dimension_semantics = [], scalar_prefetch = 0 : i64, scratch_operands = 0 : i64, tpu.core_type = #tpu.core_type<tc>} {
    %get3A = arith.constant 0 : index
    %get3A_0 = arith.constant 0 : index
    %get3A_1 = vector.load %arg0[%get3A, %get3A_0] : memref<1x1024xf32, #tpu.memory_space<vmem>>, vector<1x1024xf32>
    %mul3A = arith.constant 5.000000e-01 : f32
    %mul3A_2 = vector.broadcast %mul3A : f32 to vector<1x1024xf32>
    %mul3A_3 = arith.mulf %get3A_1, %mul3A_2 : vector<1x1024xf32>
    %cos3A = math.cos %mul3A_3 : vector<1x1024xf32>
    %mul3A_4 = arith.constant 5.000000e-01 : f32
    %mul3A_5 = vector.broadcast %mul3A_4 : f32 to vector<1x1024xf32>
    %mul3A_6 = arith.mulf %get3A_1, %mul3A_5 : vector<1x1024xf32>
    %sin3A = math.sin %mul3A_6 : vector<1x1024xf32>
    %get3A_7 = arith.constant 0 : index
    %get3A_8 = arith.constant 0 : index
    %get3A_9 = vector.load %arg1[%get3A_7, %get3A_8] : memref<3x1024xf32, #tpu.memory_space<vmem>>, vector<1x1024xf32>
    %get3A_10 = arith.constant 1 : index
    %get3A_11 = arith.constant 0 : index
    %get3A_12 = vector.load %arg1[%get3A_10, %get3A_11] : memref<3x1024xf32, #tpu.memory_space<vmem>>, vector<1x1024xf32>
    %get3A_13 = arith.constant 2 : index
    %get3A_14 = arith.constant 0 : index
    %get3A_15 = vector.load %arg1[%get3A_13, %get3A_14] : memref<3x1024xf32, #tpu.memory_space<vmem>>, vector<1x1024xf32>
    %mul3A_16 = arith.mulf %get3A_9, %get3A_9 : vector<1x1024xf32>
    %mul3A_17 = arith.mulf %get3A_12, %get3A_12 : vector<1x1024xf32>
    %add3A = arith.addf %mul3A_16, %mul3A_17 : vector<1x1024xf32>
    %mul3A_18 = arith.mulf %get3A_15, %get3A_15 : vector<1x1024xf32>
    %add3A_19 = arith.addf %add3A, %mul3A_18 : vector<1x1024xf32>
    %sqrt3A = math.sqrt %add3A_19 : vector<1x1024xf32>
    %mul3A_20 = arith.constant 5.000000e-01 : f32
    %mul3A_21 = vector.broadcast %mul3A_20 : f32 to vector<1x1024xf32>
    %mul3A_22 = arith.mulf %sqrt3A, %mul3A_21 : vector<1x1024xf32>
    %abs3A = math.absf %sqrt3A : vector<1x1024xf32>
    %lt3A = arith.constant 9.99999997E-7 : f32
    %lt3A_23 = vector.broadcast %lt3A : f32 to vector<1x1024xf32>
    %lt3A_24 = arith.cmpf olt, %abs3A, %lt3A_23 : vector<1x1024xf32>
    %broadcast_in_dim3A = arith.constant 1.000000e+00 : f32
    %broadcast_in_dim3A_25 = vector.broadcast %broadcast_in_dim3A : f32 to vector<1x1024xf32>
    %select_n3A = arith.select %lt3A_24, %broadcast_in_dim3A_25, %sqrt3A : vector<1x1024xi1>, vector<1x1024xf32>
    %mul3A_26 = arith.mulf %sqrt3A, %sqrt3A : vector<1x1024xf32>
    %div3A = arith.constant 4.800000e+01 : f32
    %div3A_27 = vector.broadcast %div3A : f32 to vector<1x1024xf32>
    %div3A_28 = arith.divf %mul3A_26, %div3A_27 : vector<1x1024xf32>
    %sub3A = arith.constant 5.000000e-01 : f32
    %sub3A_29 = vector.broadcast %sub3A : f32 to vector<1x1024xf32>
    %sub3A_30 = arith.subf %sub3A_29, %div3A_28 : vector<1x1024xf32>
    %sin3A_31 = math.sin %mul3A_22 : vector<1x1024xf32>
    %div3A_32 = arith.divf %sin3A_31, %select_n3A : vector<1x1024xf32>
    %select_n3A_33 = arith.select %lt3A_24, %sub3A_30, %div3A_32 : vector<1x1024xi1>, vector<1x1024xf32>
    %cos3A_34 = math.cos %mul3A_22 : vector<1x1024xf32>
    %mul3A_35 = arith.mulf %get3A_9, %select_n3A_33 : vector<1x1024xf32>
    %mul3A_36 = arith.mulf %get3A_12, %select_n3A_33 : vector<1x1024xf32>
    %mul3A_37 = arith.mulf %get3A_15, %select_n3A_33 : vector<1x1024xf32>
    %mul3A_38 = arith.mulf %cos3A_34, %cos3A : vector<1x1024xf32>
    %mul3A_39 = arith.mulf %mul3A_37, %sin3A : vector<1x1024xf32>
    %add3A_40 = arith.addf %mul3A_38, %mul3A_39 : vector<1x1024xf32>
    %mul3A_41 = arith.mulf %mul3A_35, %cos3A : vector<1x1024xf32>
    %mul3A_42 = arith.mulf %mul3A_36, %sin3A : vector<1x1024xf32>
    %sub3A_43 = arith.subf %mul3A_41, %mul3A_42 : vector<1x1024xf32>
    %mul3A_44 = arith.mulf %mul3A_36, %cos3A : vector<1x1024xf32>
    %mul3A_45 = arith.mulf %mul3A_35, %sin3A : vector<1x1024xf32>
    %add3A_46 = arith.addf %mul3A_44, %mul3A_45 : vector<1x1024xf32>
    %mul3A_47 = arith.mulf %mul3A_37, %cos3A : vector<1x1024xf32>
    %mul3A_48 = arith.mulf %cos3A_34, %sin3A : vector<1x1024xf32>
    %sub3A_49 = arith.subf %mul3A_47, %mul3A_48 : vector<1x1024xf32>
    %mul3A_50 = arith.mulf %add3A_46, %add3A_46 : vector<1x1024xf32>
    %mul3A_51 = arith.mulf %sub3A_49, %sub3A_49 : vector<1x1024xf32>
    %add3A_52 = arith.addf %mul3A_50, %mul3A_51 : vector<1x1024xf32>
    %mul3A_53 = arith.constant 2.000000e+00 : f32
    %mul3A_54 = vector.broadcast %mul3A_53 : f32 to vector<1x1024xf32>
    %mul3A_55 = arith.mulf %mul3A_54, %add3A_52 : vector<1x1024xf32>
    %sub3A_56 = arith.constant 1.000000e+00 : f32
    %sub3A_57 = vector.broadcast %sub3A_56 : f32 to vector<1x1024xf32>
    %sub3A_58 = arith.subf %sub3A_57, %mul3A_55 : vector<1x1024xf32>
    %mul3A_59 = arith.mulf %sub3A_43, %add3A_46 : vector<1x1024xf32>
    %mul3A_60 = arith.mulf %add3A_40, %sub3A_49 : vector<1x1024xf32>
    %sub3A_61 = arith.subf %mul3A_59, %mul3A_60 : vector<1x1024xf32>
    %mul3A_62 = arith.constant 2.000000e+00 : f32
    %mul3A_63 = vector.broadcast %mul3A_62 : f32 to vector<1x1024xf32>
    %mul3A_64 = arith.mulf %mul3A_63, %sub3A_61 : vector<1x1024xf32>
    %mul3A_65 = arith.mulf %sub3A_43, %sub3A_49 : vector<1x1024xf32>
    %mul3A_66 = arith.mulf %add3A_40, %add3A_46 : vector<1x1024xf32>
    %add3A_67 = arith.addf %mul3A_65, %mul3A_66 : vector<1x1024xf32>
    %mul3A_68 = arith.constant 2.000000e+00 : f32
    %mul3A_69 = vector.broadcast %mul3A_68 : f32 to vector<1x1024xf32>
    %mul3A_70 = arith.mulf %mul3A_69, %add3A_67 : vector<1x1024xf32>
    %mul3A_71 = arith.mulf %sub3A_43, %add3A_46 : vector<1x1024xf32>
    %mul3A_72 = arith.mulf %add3A_40, %sub3A_49 : vector<1x1024xf32>
    %add3A_73 = arith.addf %mul3A_71, %mul3A_72 : vector<1x1024xf32>
    %mul3A_74 = arith.constant 2.000000e+00 : f32
    %mul3A_75 = vector.broadcast %mul3A_74 : f32 to vector<1x1024xf32>
    %mul3A_76 = arith.mulf %mul3A_75, %add3A_73 : vector<1x1024xf32>
    %mul3A_77 = arith.mulf %sub3A_43, %sub3A_43 : vector<1x1024xf32>
    %mul3A_78 = arith.mulf %sub3A_49, %sub3A_49 : vector<1x1024xf32>
    %add3A_79 = arith.addf %mul3A_77, %mul3A_78 : vector<1x1024xf32>
    %mul3A_80 = arith.constant 2.000000e+00 : f32
    %mul3A_81 = vector.broadcast %mul3A_80 : f32 to vector<1x1024xf32>
    %mul3A_82 = arith.mulf %mul3A_81, %add3A_79 : vector<1x1024xf32>
    %sub3A_83 = arith.constant 1.000000e+00 : f32
    %sub3A_84 = vector.broadcast %sub3A_83 : f32 to vector<1x1024xf32>
    %sub3A_85 = arith.subf %sub3A_84, %mul3A_82 : vector<1x1024xf32>
    %mul3A_86 = arith.mulf %add3A_46, %sub3A_49 : vector<1x1024xf32>
    %mul3A_87 = arith.mulf %add3A_40, %sub3A_43 : vector<1x1024xf32>
    %sub3A_88 = arith.subf %mul3A_86, %mul3A_87 : vector<1x1024xf32>
    %mul3A_89 = arith.constant 2.000000e+00 : f32
    %mul3A_90 = vector.broadcast %mul3A_89 : f32 to vector<1x1024xf32>
    %mul3A_91 = arith.mulf %mul3A_90, %sub3A_88 : vector<1x1024xf32>
    %mul3A_92 = arith.mulf %sub3A_43, %sub3A_49 : vector<1x1024xf32>
    %mul3A_93 = arith.mulf %add3A_40, %add3A_46 : vector<1x1024xf32>
    %sub3A_94 = arith.subf %mul3A_92, %mul3A_93 : vector<1x1024xf32>
    %mul3A_95 = arith.constant 2.000000e+00 : f32
    %mul3A_96 = vector.broadcast %mul3A_95 : f32 to vector<1x1024xf32>
    %mul3A_97 = arith.mulf %mul3A_96, %sub3A_94 : vector<1x1024xf32>
    %mul3A_98 = arith.mulf %add3A_46, %sub3A_49 : vector<1x1024xf32>
    %mul3A_99 = arith.mulf %add3A_40, %sub3A_43 : vector<1x1024xf32>
    %add3A_100 = arith.addf %mul3A_98, %mul3A_99 : vector<1x1024xf32>
    %mul3A_101 = arith.constant 2.000000e+00 : f32
    %mul3A_102 = vector.broadcast %mul3A_101 : f32 to vector<1x1024xf32>
    %mul3A_103 = arith.mulf %mul3A_102, %add3A_100 : vector<1x1024xf32>
    %mul3A_104 = arith.mulf %sub3A_43, %sub3A_43 : vector<1x1024xf32>
    %mul3A_105 = arith.mulf %add3A_46, %add3A_46 : vector<1x1024xf32>
    %add3A_106 = arith.addf %mul3A_104, %mul3A_105 : vector<1x1024xf32>
    %mul3A_107 = arith.constant 2.000000e+00 : f32
    %mul3A_108 = vector.broadcast %mul3A_107 : f32 to vector<1x1024xf32>
    %mul3A_109 = arith.mulf %mul3A_108, %add3A_106 : vector<1x1024xf32>
    %sub3A_110 = arith.constant 1.000000e+00 : f32
    %sub3A_111 = vector.broadcast %sub3A_110 : f32 to vector<1x1024xf32>
    %sub3A_112 = arith.subf %sub3A_111, %mul3A_109 : vector<1x1024xf32>
    %mul3A_113 = arith.mulf %mul3A_36, %mul3A_36 : vector<1x1024xf32>
    %mul3A_114 = arith.mulf %mul3A_37, %mul3A_37 : vector<1x1024xf32>
    %add3A_115 = arith.addf %mul3A_113, %mul3A_114 : vector<1x1024xf32>
    %mul3A_116 = arith.constant 2.000000e+00 : f32
    %mul3A_117 = vector.broadcast %mul3A_116 : f32 to vector<1x1024xf32>
    %mul3A_118 = arith.mulf %mul3A_117, %add3A_115 : vector<1x1024xf32>
    %sub3A_119 = arith.constant 1.000000e+00 : f32
    %sub3A_120 = vector.broadcast %sub3A_119 : f32 to vector<1x1024xf32>
    %sub3A_121 = arith.subf %sub3A_120, %mul3A_118 : vector<1x1024xf32>
    %mul3A_122 = arith.mulf %mul3A_35, %mul3A_36 : vector<1x1024xf32>
    %mul3A_123 = arith.mulf %cos3A_34, %mul3A_37 : vector<1x1024xf32>
    %sub3A_124 = arith.subf %mul3A_122, %mul3A_123 : vector<1x1024xf32>
    %mul3A_125 = arith.constant 2.000000e+00 : f32
    %mul3A_126 = vector.broadcast %mul3A_125 : f32 to vector<1x1024xf32>
    %mul3A_127 = arith.mulf %mul3A_126, %sub3A_124 : vector<1x1024xf32>
    %mul3A_128 = arith.mulf %mul3A_35, %mul3A_37 : vector<1x1024xf32>
    %mul3A_129 = arith.mulf %cos3A_34, %mul3A_36 : vector<1x1024xf32>
    %add3A_130 = arith.addf %mul3A_128, %mul3A_129 : vector<1x1024xf32>
    %mul3A_131 = arith.constant 2.000000e+00 : f32
    %mul3A_132 = vector.broadcast %mul3A_131 : f32 to vector<1x1024xf32>
    %mul3A_133 = arith.mulf %mul3A_132, %add3A_130 : vector<1x1024xf32>
    %mul3A_134 = arith.mulf %mul3A_35, %mul3A_36 : vector<1x1024xf32>
    %mul3A_135 = arith.mulf %cos3A_34, %mul3A_37 : vector<1x1024xf32>
    %add3A_136 = arith.addf %mul3A_134, %mul3A_135 : vector<1x1024xf32>
    %mul3A_137 = arith.constant 2.000000e+00 : f32
    %mul3A_138 = vector.broadcast %mul3A_137 : f32 to vector<1x1024xf32>
    %mul3A_139 = arith.mulf %mul3A_138, %add3A_136 : vector<1x1024xf32>
    %mul3A_140 = arith.mulf %mul3A_35, %mul3A_35 : vector<1x1024xf32>
    %mul3A_141 = arith.mulf %mul3A_37, %mul3A_37 : vector<1x1024xf32>
    %add3A_142 = arith.addf %mul3A_140, %mul3A_141 : vector<1x1024xf32>
    %mul3A_143 = arith.constant 2.000000e+00 : f32
    %mul3A_144 = vector.broadcast %mul3A_143 : f32 to vector<1x1024xf32>
    %mul3A_145 = arith.mulf %mul3A_144, %add3A_142 : vector<1x1024xf32>
    %sub3A_146 = arith.constant 1.000000e+00 : f32
    %sub3A_147 = vector.broadcast %sub3A_146 : f32 to vector<1x1024xf32>
    %sub3A_148 = arith.subf %sub3A_147, %mul3A_145 : vector<1x1024xf32>
    %mul3A_149 = arith.mulf %mul3A_36, %mul3A_37 : vector<1x1024xf32>
    %mul3A_150 = arith.mulf %cos3A_34, %mul3A_35 : vector<1x1024xf32>
    %sub3A_151 = arith.subf %mul3A_149, %mul3A_150 : vector<1x1024xf32>
    %mul3A_152 = arith.constant 2.000000e+00 : f32
    %mul3A_153 = vector.broadcast %mul3A_152 : f32 to vector<1x1024xf32>
    %mul3A_154 = arith.mulf %mul3A_153, %sub3A_151 : vector<1x1024xf32>
    %mul3A_155 = arith.mulf %mul3A_35, %mul3A_37 : vector<1x1024xf32>
    %mul3A_156 = arith.mulf %cos3A_34, %mul3A_36 : vector<1x1024xf32>
    %sub3A_157 = arith.subf %mul3A_155, %mul3A_156 : vector<1x1024xf32>
    %mul3A_158 = arith.constant 2.000000e+00 : f32
    %mul3A_159 = vector.broadcast %mul3A_158 : f32 to vector<1x1024xf32>
    %mul3A_160 = arith.mulf %mul3A_159, %sub3A_157 : vector<1x1024xf32>
    %mul3A_161 = arith.mulf %mul3A_36, %mul3A_37 : vector<1x1024xf32>
    %mul3A_162 = arith.mulf %cos3A_34, %mul3A_35 : vector<1x1024xf32>
    %add3A_163 = arith.addf %mul3A_161, %mul3A_162 : vector<1x1024xf32>
    %mul3A_164 = arith.constant 2.000000e+00 : f32
    %mul3A_165 = vector.broadcast %mul3A_164 : f32 to vector<1x1024xf32>
    %mul3A_166 = arith.mulf %mul3A_165, %add3A_163 : vector<1x1024xf32>
    %mul3A_167 = arith.mulf %mul3A_35, %mul3A_35 : vector<1x1024xf32>
    %mul3A_168 = arith.mulf %mul3A_36, %mul3A_36 : vector<1x1024xf32>
    %add3A_169 = arith.addf %mul3A_167, %mul3A_168 : vector<1x1024xf32>
    %mul3A_170 = arith.constant 2.000000e+00 : f32
    %mul3A_171 = vector.broadcast %mul3A_170 : f32 to vector<1x1024xf32>
    %mul3A_172 = arith.mulf %mul3A_171, %add3A_169 : vector<1x1024xf32>
    %sub3A_173 = arith.constant 1.000000e+00 : f32
    %sub3A_174 = vector.broadcast %sub3A_173 : f32 to vector<1x1024xf32>
    %sub3A_175 = arith.subf %sub3A_174, %mul3A_172 : vector<1x1024xf32>
    %get3A_176 = arith.constant 0 : index
    %get3A_177 = arith.constant 0 : index
    %get3A_178 = vector.load %arg3[%get3A_176, %get3A_177] : memref<1x1024xi32, #tpu.memory_space<vmem>>, vector<1x1024xi32>
    %iota3A = tpu.iota {dimensions = array<i32: 0>} : vector<11x1024xi32>
    %eq3A = vector.broadcast %get3A_178 : vector<1x1024xi32> to vector<11x1024xi32>
    %eq3A_179 = arith.cmpi eq, %iota3A, %eq3A : vector<11x1024xi32>
    %convert_element_type3A = arith.extui %eq3A_179 : vector<11x1024xi1> to vector<11x1024xi32>
    %convert_element_type3A_180 = arith.sitofp %convert_element_type3A : vector<11x1024xi32> to vector<11x1024xf32>
    %mul3A_181 = vector.broadcast %sub3A_58 : vector<1x1024xf32> to vector<11x1024xf32>
    %mul3A_182 = arith.mulf %convert_element_type3A_180, %mul3A_181 : vector<11x1024xf32>
    %swap3A = arith.constant 0 : index
    %swap3A_183 = arith.constant 0 : index
    %swap3A_184 = vector.load %arg4[%swap3A, %swap3A_183] : memref<208x1024xf32, #tpu.memory_space<vmem>>, vector<11x1024xf32>
    tpu.vector_store %arg4[%swap3A, %swap3A_183], %mul3A_182 {strides = array<i32>} : memref<208x1024xf32, #tpu.memory_space<vmem>>, vector<11x1024xf32>,
    %mul3A_185 = vector.broadcast %sub3A_121 : vector<1x1024xf32> to vector<11x1024xf32>
    %mul3A_186 = arith.mulf %convert_element_type3A_180, %mul3A_185 : vector<11x1024xf32>
    %swap3A_187 = arith.constant 102 : index
    %swap3A_188 = arith.constant 0 : index
    %swap3A_189 = vector.load %arg4[%swap3A_187, %swap3A_188] : memref<208x1024xf32, #tpu.memory_space<vmem>>, vector<11x1024xf32>
    tpu.vector_store %arg4[%swap3A_187, %swap3A_188], %mul3A_186 {strides = array<i32>} : memref<208x1024xf32, #tpu.memory_space<vmem>>, vector<11x1024xf32>,
    %mul3A_190 = vector.broadcast %mul3A_76 : vector<1x1024xf32> to vector<11x1024xf32>
    %mul3A_191 = arith.mulf %convert_element_type3A_180, %mul3A_190 : vector<11x1024xf32>
    %swap3A_192 = arith.constant 11 : index
    %swap3A_193 = arith.constant 0 : index
    %swap3A_194 = vector.load %arg4[%swap3A_192, %swap3A_193] : memref<208x1024xf32, #tpu.memory_space<vmem>>, vector<11x1024xf32>
    tpu.vector_store %arg4[%swap3A_192, %swap3A_193], %mul3A_191 {strides = array<i32>} : memref<208x1024xf32, #tpu.memory_space<vmem>>, vector<11x1024xf32>,
    %mul3A_195 = vector.broadcast %mul3A_139 : vector<1x1024xf32> to vector<11x1024xf32>
    %mul3A_196 = arith.mulf %convert_element_type3A_180, %mul3A_195 : vector<11x1024xf32>
    %swap3A_197 = arith.constant 113 : index
    %swap3A_198 = arith.constant 0 : index
    %swap3A_199 = vector.load %arg4[%swap3A_197, %swap3A_198] : memref<208x1024xf32, #tpu.memory_space<vmem>>, vector<11x1024xf32>
    tpu.vector_store %arg4[%swap3A_197, %swap3A_198], %mul3A_196 {strides = array<i32>} : memref<208x1024xf32, #tpu.memory_space<vmem>>, vector<11x1024xf32>,
    %mul3A_200 = vector.broadcast %mul3A_97 : vector<1x1024xf32> to vector<11x1024xf32>
    %mul3A_201 = arith.mulf %convert_element_type3A_180, %mul3A_200 : vector<11x1024xf32>
    %swap3A_202 = arith.constant 22 : index
    %swap3A_203 = arith.constant 0 : index
    %swap3A_204 = vector.load %arg4[%swap3A_202, %swap3A_203] : memref<208x1024xf32, #tpu.memory_space<vmem>>, vector<11x1024xf32>
    tpu.vector_store %arg4[%swap3A_202, %swap3A_203], %mul3A_201 {strides = array<i32>} : memref<208x1024xf32, #tpu.memory_space<vmem>>, vector<11x1024xf32>,
    %mul3A_205 = vector.broadcast %mul3A_160 : vector<1x1024xf32> to vector<11x1024xf32>
    %mul3A_206 = arith.mulf %convert_element_type3A_180, %mul3A_205 : vector<11x1024xf32>
    %swap3A_207 = arith.constant 124 : index
    %swap3A_208 = arith.constant 0 : index
    %swap3A_209 = vector.load %arg4[%swap3A_207, %swap3A_208] : memref<208x1024xf32, #tpu.memory_space<vmem>>, vector<11x1024xf32>
    tpu.vector_store %arg4[%swap3A_207, %swap3A_208], %mul3A_206 {strides = array<i32>} : memref<208x1024xf32, #tpu.memory_space<vmem>>, vector<11x1024xf32>,
    %mul3A_210 = vector.broadcast %mul3A_64 : vector<1x1024xf32> to vector<11x1024xf32>
    %mul3A_211 = arith.mulf %convert_element_type3A_180, %mul3A_210 : vector<11x1024xf32>
    %swap3A_212 = arith.constant 33 : index
    %swap3A_213 = arith.constant 0 : index
    %swap3A_214 = vector.load %arg4[%swap3A_212, %swap3A_213] : memref<208x1024xf32, #tpu.memory_space<vmem>>, vector<11x1024xf32>
    tpu.vector_store %arg4[%swap3A_212, %swap3A_213], %mul3A_211 {strides = array<i32>} : memref<208x1024xf32, #tpu.memory_space<vmem>>, vector<11x1024xf32>,
    %mul3A_215 = vector.broadcast %mul3A_127 : vector<1x1024xf32> to vector<11x1024xf32>
    %mul3A_216 = arith.mulf %convert_element_type3A_180, %mul3A_215 : vector<11x1024xf32>
    %swap3A_217 = arith.constant 135 : index
    %swap3A_218 = arith.constant 0 : index
    %swap3A_219 = vector.load %arg4[%swap3A_217, %swap3A_218] : memref<208x1024xf32, #tpu.memory_space<vmem>>, vector<11x1024xf32>
    tpu.vector_store %arg4[%swap3A_217, %swap3A_218], %mul3A_216 {strides = array<i32>} : memref<208x1024xf32, #tpu.memory_space<vmem>>, vector<11x1024xf32>,
    %mul3A_220 = vector.broadcast %sub3A_85 : vector<1x1024xf32> to vector<11x1024xf32>
    %mul3A_221 = arith.mulf %convert_element_type3A_180, %mul3A_220 : vector<11x1024xf32>
    %swap3A_222 = arith.constant 44 : index
    %swap3A_223 = arith.constant 0 : index
    %swap3A_224 = vector.load %arg4[%swap3A_222, %swap3A_223] : memref<208x1024xf32, #tpu.memory_space<vmem>>, vector<11x1024xf32>
    tpu.vector_store %arg4[%swap3A_222, %swap3A_223], %mul3A_221 {strides = array<i32>} : memref<208x1024xf32, #tpu.memory_space<vmem>>, vector<11x1024xf32>,
    %mul3A_225 = vector.broadcast %sub3A_148 : vector<1x1024xf32> to vector<11x1024xf32>
    %mul3A_226 = arith.mulf %convert_element_type3A_180, %mul3A_225 : vector<11x1024xf32>
    %swap3A_227 = arith.constant 146 : index
    %swap3A_228 = arith.constant 0 : index
    %swap3A_229 = vector.load %arg4[%swap3A_227, %swap3A_228] : memref<208x1024xf32, #tpu.memory_space<vmem>>, vector<11x1024xf32>
    tpu.vector_store %arg4[%swap3A_227, %swap3A_228], %mul3A_226 {strides = array<i32>} : memref<208x1024xf32, #tpu.memory_space<vmem>>, vector<11x1024xf32>,
    %mul3A_230 = vector.broadcast %mul3A_103 : vector<1x1024xf32> to vector<11x1024xf32>
    %mul3A_231 = arith.mulf %convert_element_type3A_180, %mul3A_230 : vector<11x1024xf32>
    %swap3A_232 = arith.constant 55 : index
    %swap3A_233 = arith.constant 0 : index
    %swap3A_234 = vector.load %arg4[%swap3A_232, %swap3A_233] : memref<208x1024xf32, #tpu.memory_space<vmem>>, vector<11x1024xf32>
    tpu.vector_store %arg4[%swap3A_232, %swap3A_233], %mul3A_231 {strides = array<i32>} : memref<208x1024xf32, #tpu.memory_space<vmem>>, vector<11x1024xf32>,
    %mul3A_235 = vector.broadcast %mul3A_166 : vector<1x1024xf32> to vector<11x1024xf32>
    %mul3A_236 = arith.mulf %convert_element_type3A_180, %mul3A_235 : vector<11x1024xf32>
    %swap3A_237 = arith.constant 157 : index
    %swap3A_238 = arith.constant 0 : index
    %swap3A_239 = vector.load %arg4[%swap3A_237, %swap3A_238] : memref<208x1024xf32, #tpu.memory_space<vmem>>, vector<11x1024xf32>
    tpu.vector_store %arg4[%swap3A_237, %swap3A_238], %mul3A_236 {strides = array<i32>} : memref<208x1024xf32, #tpu.memory_space<vmem>>, vector<11x1024xf32>,
    %mul3A_240 = vector.broadcast %mul3A_70 : vector<1x1024xf32> to vector<11x1024xf32>
    %mul3A_241 = arith.mulf %convert_element_type3A_180, %mul3A_240 : vector<11x1024xf32>
    %swap3A_242 = arith.constant 66 : index
    %swap3A_243 = arith.constant 0 : index
    %swap3A_244 = vector.load %arg4[%swap3A_242, %swap3A_243] : memref<208x1024xf32, #tpu.memory_space<vmem>>, vector<11x1024xf32>
    tpu.vector_store %arg4[%swap3A_242, %swap3A_243], %mul3A_241 {strides = array<i32>} : memref<208x1024xf32, #tpu.memory_space<vmem>>, vector<11x1024xf32>,
    %mul3A_245 = vector.broadcast %mul3A_133 : vector<1x1024xf32> to vector<11x1024xf32>
    %mul3A_246 = arith.mulf %convert_element_type3A_180, %mul3A_245 : vector<11x1024xf32>
    %swap3A_247 = arith.constant 168 : index
    %swap3A_248 = arith.constant 0 : index
    %swap3A_249 = vector.load %arg4[%swap3A_247, %swap3A_248] : memref<208x1024xf32, #tpu.memory_space<vmem>>, vector<11x1024xf32>
    tpu.vector_store %arg4[%swap3A_247, %swap3A_248], %mul3A_246 {strides = array<i32>} : memref<208x1024xf32, #tpu.memory_space<vmem>>, vector<11x1024xf32>,
    %mul3A_250 = vector.broadcast %mul3A_91 : vector<1x1024xf32> to vector<11x1024xf32>
    %mul3A_251 = arith.mulf %convert_element_type3A_180, %mul3A_250 : vector<11x1024xf32>
    %swap3A_252 = arith.constant 77 : index
    %swap3A_253 = arith.constant 0 : index
    %swap3A_254 = vector.load %arg4[%swap3A_252, %swap3A_253] : memref<208x1024xf32, #tpu.memory_space<vmem>>, vector<11x1024xf32>
    tpu.vector_store %arg4[%swap3A_252, %swap3A_253], %mul3A_251 {strides = array<i32>} : memref<208x1024xf32, #tpu.memory_space<vmem>>, vector<11x1024xf32>,
    %mul3A_255 = vector.broadcast %mul3A_154 : vector<1x1024xf32> to vector<11x1024xf32>
    %mul3A_256 = arith.mulf %convert_element_type3A_180, %mul3A_255 : vector<11x1024xf32>
    %swap3A_257 = arith.constant 179 : index
    %swap3A_258 = arith.constant 0 : index
    %swap3A_259 = vector.load %arg4[%swap3A_257, %swap3A_258] : memref<208x1024xf32, #tpu.memory_space<vmem>>, vector<11x1024xf32>
    tpu.vector_store %arg4[%swap3A_257, %swap3A_258], %mul3A_256 {strides = array<i32>} : memref<208x1024xf32, #tpu.memory_space<vmem>>, vector<11x1024xf32>,
    %mul3A_260 = vector.broadcast %sub3A_112 : vector<1x1024xf32> to vector<11x1024xf32>
    %mul3A_261 = arith.mulf %convert_element_type3A_180, %mul3A_260 : vector<11x1024xf32>
    %swap3A_262 = arith.constant 88 : index
    %swap3A_263 = arith.constant 0 : index
    %swap3A_264 = vector.load %arg4[%swap3A_262, %swap3A_263] : memref<208x1024xf32, #tpu.memory_space<vmem>>, vector<11x1024xf32>
    tpu.vector_store %arg4[%swap3A_262, %swap3A_263], %mul3A_261 {strides = array<i32>} : memref<208x1024xf32, #tpu.memory_space<vmem>>, vector<11x1024xf32>,
    %mul3A_265 = vector.broadcast %sub3A_175 : vector<1x1024xf32> to vector<11x1024xf32>
    %mul3A_266 = arith.mulf %convert_element_type3A_180, %mul3A_265 : vector<11x1024xf32>
    %swap3A_267 = arith.constant 190 : index
    %swap3A_268 = arith.constant 0 : index
    %swap3A_269 = vector.load %arg4[%swap3A_267, %swap3A_268] : memref<208x1024xf32, #tpu.memory_space<vmem>>, vector<11x1024xf32>
    tpu.vector_store %arg4[%swap3A_267, %swap3A_268], %mul3A_266 {strides = array<i32>} : memref<208x1024xf32, #tpu.memory_space<vmem>>, vector<11x1024xf32>,
    %get3A_270 = arith.constant 0 : index
    %get3A_271 = arith.constant 0 : index
    %get3A_272 = vector.load %arg2[%get3A_270, %get3A_271] : memref<3x1024xf32, #tpu.memory_space<vmem>>, vector<3x1024xf32>
    %swap3A_273 = arith.constant 99 : index
    %swap3A_274 = arith.constant 0 : index
    %swap3A_275 = vector.load %arg4[%swap3A_273, %swap3A_274] : memref<208x1024xf32, #tpu.memory_space<vmem>>, vector<3x1024xf32>
    tpu.vector_store %arg4[%swap3A_273, %swap3A_274], %get3A_272 {strides = array<i32>} : memref<208x1024xf32, #tpu.memory_space<vmem>>, vector<3x1024xf32>,
    %broadcast_in_dim3A_276 = arith.constant 0.000000e+00 : f32
    %broadcast_in_dim3A_277 = vector.broadcast %broadcast_in_dim3A_276 : f32 to vector<7x1024xf32>
    %swap3A_278 = arith.constant 201 : index
    %swap3A_279 = arith.constant 0 : index
    %swap3A_280 = vector.load %arg4[%swap3A_278, %swap3A_279] : memref<208x1024xf32, #tpu.memory_space<vmem>>, vector<7x1024xf32>
    tpu.vector_store %arg4[%swap3A_278, %swap3A_279], %broadcast_in_dim3A_277 {strides = array<i32>} : memref<208x1024xf32, #tpu.memory_space<vmem>>, vector<7x1024xf32>,
    return
  }
}

module attributes {stable_mosaic.version = 14 : i64} {
  func.func @_matmul_kernel(%arg0: i32, %arg1: memref<128x208xf32, #tpu.memory_space<vmem>>, %arg2: memref<208x12000xf32, #tpu.memory_space<vmem>>, %arg3: memref<208x1800xf32, #tpu.memory_space<vmem>>, %arg4: memref<208x144xf32, #tpu.memory_space<vmem>>, %arg5: memref<128x12000xf32, #tpu.memory_space<vmem>>, %arg6: memref<128x1800xf32, #tpu.memory_space<vmem>>, %arg7: memref<128x144xf32, #tpu.memory_space<vmem>>) attributes {dimension_semantics = [#tpu.dimension_semantics<arbitrary>], iteration_bounds = array<i64: 8>, scalar_prefetch = 0 : i64, scratch_operands = 0 : i64, tpu.core_type = #tpu.core_type<tc>, window_params = [{transform_indices = @transform_0, window_bounds = array<i64: 128, 208>}, {pipeline_mode = #tpu.pipeline_mode<synchronous>, transform_indices = @transform_1, window_bounds = array<i64: 208, 12000>}, {pipeline_mode = #tpu.pipeline_mode<synchronous>, transform_indices = @transform_2, window_bounds = array<i64: 208, 1800>}, {pipeline_mode = #tpu.pipeline_mode<synchronous>, transform_indices = @transform_3, window_bounds = array<i64: 208, 144>}, {transform_indices = @transform_4, window_bounds = array<i64: 128, 12000>}, {transform_indices = @transform_5, window_bounds = array<i64: 128, 1800>}, {transform_indices = @transform_6, window_bounds = array<i64: 128, 144>}]} {
    %get3A = arith.constant 0 : index
    %get3A_0 = arith.constant 0 : index
    %get3A_1 = vector.load %arg1[%get3A, %get3A_0] : memref<128x208xf32, #tpu.memory_space<vmem>>, vector<128x208xf32>
    %get3A_2 = arith.constant 0 : index
    %get3A_3 = arith.constant 0 : index
    %get3A_4 = vector.load %arg2[%get3A_2, %get3A_3] : memref<208x12000xf32, #tpu.memory_space<vmem>>, vector<208x12000xf32>
    %dot_general3A = arith.constant dense<0.000000e+00> : vector<128x12000xf32>
    %dot_general3A_5 = tpu.matmul %get3A_1, %get3A_4, %dot_general3A {dimension_numbers = #tpu.dot_dimension_numbers<[1], [0], [0], [1], [0, 0, 1, 1], [], []>, transpose_lhs_hint = false} : vector<128x208xf32>, vector<208x12000xf32>, vector<128x12000xf32> -> vector<128x12000xf32>
    %swap3A = arith.constant 0 : index
    %swap3A_6 = arith.constant 0 : index
    %swap3A_7 = vector.load %arg5[%swap3A, %swap3A_6] : memref<128x12000xf32, #tpu.memory_space<vmem>>, vector<128x12000xf32>
    tpu.vector_store %arg5[%swap3A, %swap3A_6], %dot_general3A_5 {strides = array<i32>} : memref<128x12000xf32, #tpu.memory_space<vmem>>, vector<128x12000xf32>,
    %get3A_8 = arith.constant 0 : index
    %get3A_9 = arith.constant 0 : index
    %get3A_10 = vector.load %arg3[%get3A_8, %get3A_9] : memref<208x1800xf32, #tpu.memory_space<vmem>>, vector<208x1800xf32>
    %dot_general3A_11 = arith.constant dense<0.000000e+00> : vector<128x1800xf32>
    %dot_general3A_12 = tpu.matmul %get3A_1, %get3A_10, %dot_general3A_11 {dimension_numbers = #tpu.dot_dimension_numbers<[1], [0], [0], [1], [0, 0, 1, 1], [], []>, transpose_lhs_hint = false} : vector<128x208xf32>, vector<208x1800xf32>, vector<128x1800xf32> -> vector<128x1800xf32>
    %swap3A_13 = arith.constant 0 : index
    %swap3A_14 = arith.constant 0 : index
    %swap3A_15 = vector.load %arg6[%swap3A_13, %swap3A_14] : memref<128x1800xf32, #tpu.memory_space<vmem>>, vector<128x1800xf32>
    tpu.vector_store %arg6[%swap3A_13, %swap3A_14], %dot_general3A_12 {strides = array<i32>} : memref<128x1800xf32, #tpu.memory_space<vmem>>, vector<128x1800xf32>,
    %get3A_16 = arith.constant 0 : index
    %get3A_17 = arith.constant 0 : index
    %get3A_18 = vector.load %arg4[%get3A_16, %get3A_17] : memref<208x144xf32, #tpu.memory_space<vmem>>, vector<208x144xf32>
    %dot_general3A_19 = arith.constant dense<0.000000e+00> : vector<128x144xf32>
    %dot_general3A_20 = tpu.matmul %get3A_1, %get3A_18, %dot_general3A_19 {dimension_numbers = #tpu.dot_dimension_numbers<[1], [0], [0], [1], [0, 0, 1, 1], [], []>, transpose_lhs_hint = false} : vector<128x208xf32>, vector<208x144xf32>, vector<128x144xf32> -> vector<128x144xf32>
    %swap3A_21 = arith.constant 0 : index
    %swap3A_22 = arith.constant 0 : index
    %swap3A_23 = vector.load %arg7[%swap3A_21, %swap3A_22] : memref<128x144xf32, #tpu.memory_space<vmem>>, vector<128x144xf32>
    tpu.vector_store %arg7[%swap3A_21, %swap3A_22], %dot_general3A_20 {strides = array<i32>} : memref<128x144xf32, #tpu.memory_space<vmem>>, vector<128x144xf32>,
    return
  }
  func.func @transform_0(%arg0: i32) -> (i32, i32) {
    %c0_i32 = arith.constant 0 : i32
    %c0_i32_0 = arith.constant 0 : i32
    return %arg0, %c0_i32 : i32, i32
  }
  func.func @transform_1(%arg0: i32) -> (i32, i32) {
    %c0_i32 = arith.constant 0 : i32
    %c0_i32_0 = arith.constant 0 : i32
    %c0_i32_1 = arith.constant 0 : i32
    return %c0_i32, %c0_i32_0 : i32, i32
  }
  func.func @transform_2(%arg0: i32) -> (i32, i32) {
    %c0_i32 = arith.constant 0 : i32
    %c0_i32_0 = arith.constant 0 : i32
    %c0_i32_1 = arith.constant 0 : i32
    return %c0_i32, %c0_i32_0 : i32, i32
  }
  func.func @transform_3(%arg0: i32) -> (i32, i32) {
    %c0_i32 = arith.constant 0 : i32
    %c0_i32_0 = arith.constant 0 : i32
    %c0_i32_1 = arith.constant 0 : i32
    return %c0_i32, %c0_i32_0 : i32, i32
  }
  func.func @transform_4(%arg0: i32) -> (i32, i32) {
    %c0_i32 = arith.constant 0 : i32
    %c0_i32_0 = arith.constant 0 : i32
    return %arg0, %c0_i32 : i32, i32
  }
  func.func @transform_5(%arg0: i32) -> (i32, i32) {
    %c0_i32 = arith.constant 0 : i32
    %c0_i32_0 = arith.constant 0 : i32
    return %arg0, %c0_i32 : i32, i32
  }
  func.func @transform_6(%arg0: i32) -> (i32, i32) {
    %c0_i32 = arith.constant 0 : i32
    %c0_i32_0 = arith.constant 0 : i32
    return %arg0, %c0_i32 : i32, i32
  }
}

</mosaic_0001>

<sc_bundles>
// kernel: sparse-core-data-format-call.cloned.1.call-start
scs
called_computation_lowered:
.L_overlay_start_0:
0x0: {  	s2 =	sld [smem:$0x3FD9]  }
0x1: {  	s3 =	sld [smem:$0x3FFE];
	_ =	sdelay $0x1  }
0x2: {  	s1 =	srdreg.scid  }
0x3: {  	s0 =	sand.u32 $0x1, s1  }
0x4: {  	s15 =	sshll.u32 s0, $0xA;
	s2 =	sadd.s32 s3, s2  }
0x5: {  	s2 =	sadd.s32 s2, s15  }
0x6: {  	[smem:$0x3FBC] =	sst s2  }
0x7: {  	_ = 	snop  }
0x8: {  	s2 =	sld [smem:$0x3FD0];
	_ =	sdelay $0x2  }
0x9: {  	s16 =	simm.s32 $0xA;
	s4 =	simm.s32 $0x10  }
0xa: {  	[smem:s4], [sflag:s16] =	dma.local [hbm:s2], $0x1  }
0xb: {  	_ =	swait.eq [sflag:s16], $0x1  }
0xc: {  	[sflag:s16] =	ssyncset.done $0x0  }
0xd: {  	[sflag:s16] =	ssyncadd.s32 $0xFFFFFFFF  }
0xe: {  	s17 =	sld [smem:$0x10];
	(tm) =	ssettm $0x1  }
0xf: {  	s18 =	sld [smem:$0x3FFB];
	_ =	sdelay $0x3  }
0x10: {  	_ =	strace s18  }
0x11: {  	s3 =	sld [smem:$0x3FFC];
	_ =	sdelay $0x3  }
0x12: {  	_ =	strace s3  }
0x13: {  	s3 =	sld [smem:$0x3FFD];
	_ =	sdelay $0x3  }
0x14: {  	_ =	strace s3  }
0x15: {  	_ =	strace $0x8FFFFFFF  }
0x16: {  	s19 =	sld [smem:$0x3FDB];
	_ =	sdelay $0x1  }
0x17: {  	s20 =	simm.s32 $_scs_section_size  }
0x18: {  	s5 =	simm.s32 $_size__tile_overlayer_lowered;
	s6 =	simm.s32 $_tile_overlayer_lowered  }
0x19: {  	s23 =	simm.s32 $0x1BFF;
	s22 =	sshll.u32 s6, $0x1;
	s3 =	sadd.s32 s20, s19  }
0x1a: {  	s7 =	simm.s32 $0x0;
	s21 =	sshll.u32 s5, $0x1;
	s5 =	sadd.s32 s22, s3  }
0x1b: {  	[timem:s7], [sflag:s23] =	dma.local [hbm:s5], s21  }
0x1c: {  	_ =	swait.ge [sflag:s23], s21  }
0x1d: {  	s4 =	ssub.s32 $0x0, s21;
	[sflag:s23] =	ssyncset.done $0x0  }
0x1e: {  	[sflag:s23] =	ssyncadd.s32 s4;
	_ =	sdelay $0x1  }
0x1f: {  	s24 =	simm.s32 $0x1B8B  }
0x20: {  	_ =	swait.ge [sflag:s24], $0x1  }
0x21: {  	[sflag:s24] =	ssyncset.done $0x0  }
0x22: {  	s26 =	simm.s32 $0x1B8E;
	s25 =	sld [smem:$0x3FFE];
	[sflag:s24] =	ssyncadd.s32 $0xFFFFFFFF  }
0x23: {  	s27 =	simm.s32 $execute0_lowered;
	[smem:$0x3FD2] =	sst s26  }
0x24: {  	s5 =	sshll.u32 s27, $0x1;
	_ =	strace $0x80000046;
	[dreg:$0x1] =	wrdreg $0xFFFFFFFF  }
0x25: {  	s28 =	simm.s32 $_size_execute0_lowered;
	s3 =	sadd.s32 s3, s5;
	[dreg:$0x0] =	wrdreg $0x0  }
0x26: {  	s5 =	sshll.u32 s28, $0x1;
	[dreg:$0x2] =	wrdreg s3  }
0x27: {  	[dreg:$0x3] =	wrdreg s5  }
0x28: {  	[dreg:$0x4] =	wrdreg $0xC0  }
0x29: {  	_ =	task [dreg:s7], $0x5FFFF  }
0x2a: {  	[dreg:$0x1] =	wrdreg $0xFFFFFFFF  }
0x2b: {  	[dreg:$0x0] =	wrdreg $0x60  }
0x2c: {  	[dreg:$0x2] =	wrdreg s25  }
0x2d: {  	[dreg:$0x3] =	wrdreg s17  }
0x2e: {  	[dreg:$0x4] =	wrdreg $0x9  }
0x2f: {  	_ =	task.clear_ibuf [dreg:s7], $0x5FFFF;
	_ =	strace $0x90000046  }
0x30: {  	s29 =	simm.s32 $0x9;
	_ =	strace $0x80000048  }
0x31: {  	_ =	swait.ge [sflag:s29], $0x1  }
0x32: {  	[sflag:s29] =	ssyncadd.s32 $0xFFFFFFFF  }
0x33: {  	_ =	strace $0x90000048  }
0x34: {  	_ =	sfence  }
0x35: {  	s30 =	sld [smem:$0x0];
	_ =	sdelay $0x2  }
0x36: {  	s31 =	sshll.u32 s1, $0xD;
	s1 =	sshrl.u32 s1, $0x2  }
0x37: {  	s3 =	sand.u32 $0x4000, s31;
	s1 =	sadd.s32 s1, s30  }
0x38: {  	s0 =	sor.u32 s3, s0;
	s1 =	sshll.u32 s1, $0x11  }
0x39: {  	s0 =	sor.u32 s1, s0  }
0x3a: {  	s0 =	sadd.s32 $0x8F2B, s0  }
0x3b: {  	[sflag:s0] =	ssyncadd.remote.s32 $0x1  }
0x3c: {  	_ =	sfence.sel $0xFFFF  }
0x3d: {  	[dreg:$0x0] =	wrdreg $0xFFFFFFFF;
	(pc) =	sbr.abs _section_cstart, $3  }
0x3e: {  	[dreg:$0x1] =	wrdreg $0xFFFFFFFF  }
0x3f: {  	_ =	task.clear_ibuf [dreg:s7], $0x2FFFF;
	_ =	strace $0x9FFFFFFF  }
0x40: {  	(tm) =	ssettm $0x7FFFFFFF  }
0x41: {  	_ =	shalt  }
tec
execute0_lowered:
.L_overlay_start_1:
0x0: {  	(tag) =	ssettag $0x1  }
0x1: {  	s0 =	rddreg [dreg:$0x0];
	s1 =	srdreg.scid  }
0x2: {  	_ =	strace $0x80000047;
	s30 =	stileid.u32;
	s2 =	simm.s32 $0x1  }
0x3: {  	s31 =	simm.s32 $0x2;
	s14 =	simm.s32 $0x0;
	s16 =	simm.s32 $0x0  }
0x4: {  	s15 =	simm.s32 $0x0;
	s7 =	simm.s32 $0x0;
	s9 =	simm.s32 $0x0  }
.Ltmp0:
0x5: {  	s11 =	simm.s32 $0x0;
	s29 =	sshll.u32 s1, $0x4;
	(pc) =	sbr.rel .LBB1_1-.Ltmp0, $4  }
0x6: {  	s10 =	simm.s32 $0x0;
	s5 =	sadd.s32 $0x1BAA00, s0;
	s0 =	sand.u32 $0x10, s29  }
0x7: {  	s12 =	simm.s32 $0x0;
	s8 =	simm.s32 $0x0;
	s0 =	sor.u32 s30, s0  }
0x8: {  	[sflag:s2] =	ssyncpa.u1 $0x0;
	[dreg:$0x3] =	wrdreg s5;
	s17 =	sshll.u32 s0, $0x7  }
0x9: {  	[sflag:s31] =	ssyncpa.u1 $0x0;
	s13 =	smov.u32 s17;
	[dreg:$0x4] =	wrdreg s17  }
.LBB1_14:
0xa: {  	p0 =	sgt.s32 s9, $0x2  }
0xb: {  	s0 =	smov.u32 s9;
	s1 =	sshll.u32 s11, $0xA;
	s2 =	sshll.u32 s7, $0x3  }
0xc: {  	s3 =	sshll.u32 s11, $0x7;
	s4 =	sand.u32 $0x78, s7;
	s0 =	simm.s32 @!p0 $0x2  }
0xd: {  	s5 =	smul.u32 $0x7D000, s9;
	s1 =	sand.u32 $0xFFFFE000, s1;
	s0 =	sadd.s32 s19, s0  }
0xe: {  	s26 =	rddreg [dreg:$0x1];
	s1 =	sadd.s32 s1, s2;
	s23 =	sadd.s32 $0xFFFFFFFE, s0  }
0xf: {  	s1 =	sshrl.u32 s1, $0xA;
	s0 =	ssub.s32 $0x3, s0;
	p0 =	sgt.s32 s23, $0x0  }
0x10: {  	s27 =	sand.u32 $0x7, s7;
	s24 =	smulhi.u32 $0x10624E, s1;
	s0 =	simm.s32 @p0 $0x0  }
0x11: {  	s29 =	sor.u32 $0x8000, s20;
	s3 =	sand.u32 $0x380, s3;
	s0 =	smul.u32 s17, s0  }
0x12: {  	s28 =	sshll.u32 s27, $0x12;
	s3 =	sor.u32 s3, s4;
	s2 =	smul.u32 $0xFA0, s24  }
0x13: {  	s31 =	simm.s32 $0x2000;
	s30 =	sor.u32 $0x400, s28;
	s25 =	sshrl.u32 s3, $0x3  }
0x14: {  	s3 =	sadd.s32 s26, s5;
	s0 =	smul.u32 s18, s0;
	s1 =	ssub.s32 s1, s2  }
0x15: {  	s5 =	rddreg [dreg:$0x3];
	s2 =	sadd.s32 s25, s3;
	s1 =	sshll.u32 s1, $0x7  }
0x16: {  	s17 =	rddreg [dreg:$0x4];
	s0 =	sand.u32 $0x3FFFFFFF, s0;
	s1 =	sadd.s32 s1, s2  }
0x17: {  	[hbm4b:s1+s30] =	stream.strided.scatter [tilespmem:s29], [sflag:$0x2], s0, s31, s30, $0x38;
	[tilespmem:$0x10000] =	vst v63  }
.LBB1_15:
0x18: {  	p0 =	slt.u32 s8, $0x2  }
0x19: {  	p1 =	sgt.s32 @!p0 s16, $0x2  }
0x1a: {  	s0 =	smov.u32 s16;
	s1 =	sshra.s32 @!p0 s16, $0x1F;
	p1 =	por !p1, p0  }
0x1b: {  	s1 =	sand.u32 @!p0 s1, s16;
	s0 =	simm.s32 @p1 $0x2;
	p1 =	sgt.s32 @!p0 s15, $0xF20  }
0x1c: {  	s2 =	smov.u32 s15;
	s0 =	ssub.s32 @!p0 s0, s1;
	p1 =	por !p1, p0  }
0x1d: {  	s3 =	sshra.s32 @!p0 s15, $0x1F;
	s1 =	sadd.s32 @!p0 $0xFFFFFFFE, s0;
	s2 =	simm.s32 @p1 $0xF20  }
0x1e: {  	p1 =	sgt.s32 @!p0 s14, $0x380;
	p2 =	sgt.s32 @!p0 s1, $0x0;
	s1 =	sand.u32 @!p0 s3, s15  }
0x1f: {  	s0 =	ssub.s32 @!p0 $0x3, s0;
	p1 =	por !p1, p0;
	s1 =	ssub.s32 @!p0 s2, s1  }
0x20: {  	s3 =	smov.u32 s14;
	p2 =	por !p2, p0;
	s2 =	sadd.s32 @!p0 $0xFFFFF0E0, s1  }
0x21: {  	s3 =	simm.s32 @p1 $0x380;
	p1 =	sgt.s32 @!p0 s2, $0x7F;
	s2 =	sshra.s32 @!p0 s14, $0x1F  }
0x22: {  	s1 =	ssub.s32 @!p0 $0xFA0, s1;
	p1 =	por !p1, p0;
	s2 =	sand.u32 @!p0 s2, s14  }
0x23: {  	s0 =	simm.s32 @!p2 $0x0;
	s1 =	simm.s32 @!p1 $0x0;
	s2 =	ssub.s32 @!p0 s3, s2  }
0x24: {  	s0 =	smul.u32 @!p0 s1, s0;
	s1 =	sadd.s32 @!p0 $0xFFFFFC80, s2  }
0x25: {  	p1 =	sgt.s32 @!p0 s1, $0x7F;
	s1 =	ssub.s32 @!p0 $0x400, s2;
	s2 =	sadd.s32 $0x80, s10  }
0x26: {  	s3 =	simm.s32 $0x1;
	p1 =	por !p1, p0;
	p2 =	sgt.s32 s2, $0x3FF  }
0x27: {  	s1 =	simm.s32 @!p1 $0x0;
	s3 =	simm.s32 @!p2 $0x0  }
0x28: {  	s0 =	smul.u32 @!p0 s1, s0;
	s1 =	sadd.s32 s3, s12  }
0x29: {  	s4 =	smov.u32 s13;
	s3 =	sadd.s32 $0x1000, s13;
	p1 =	sgt.s32 s1, $0x2  }
0x2a: {  	s8 =	sadd.s32 $0x1, s8;
	s4 =	smov.u32 @p1 s3  }
0x2b: {  	s16 =	smov.u32 s9;
	s1 =	simm.s32 @p1 $0x0;
	p1 =	sgt.s32 s4, $0xF9F  }
0x2c: {  	s9 =	smov.u32 s12;
	s4 =	smov.u32 @p1 s17;
	p1 =	sne.s32 s8, $0x1A  }
.Ltmp1:
0x2d: {  	s15 =	smov.u32 s11;
	s11 =	smov.u32 s13;
	(pc) =	sbr.rel @!p1 .LBB1_16-.Ltmp1, $4  }
0x2e: {  	s14 =	smov.u32 s7;
	s0 =	sand.u32 @!p0 $0x3FFFFFFF, s0;
	s3 =	simm.s32 @!p0 $0x2  }
0x2f: {  	s7 =	smov.u32 s10;
	s2 =	simm.s32 @p2 $0x0;
	_ =	swait.ge @!p0 [sflag:s3], s0  }
0x30: {  	s10 =	smov.u32 s2;
	s0 =	ssub.s32 @!p0 $0x0, s0;
	[sflag:s3] =	ssyncset.done @!p0 $0x0  }
0x31: {  	s12 =	smov.u32 s1;
	[sflag:s3] =	ssyncadd.s32 @!p0 s0;
	s13 =	smov.u32 s4  }
.LBB1_1:
0x32: {  	p0 =	sgt.u32 s8, $0x17  }
0x33: {  	s2 =	smov.u32 s13;
	s4 =	smov.u32 s10;
	s0 =	sand.u32 @!p0 $0x78, s10  }
0x34: {  	s1 =	sshll.u32 @!p0 s12, $0x7;
	p1 =	sgt.s32 @!p0 s13, $0xF20;
	s3 =	sshra.s32 @!p0 s13, $0x1F  }
0x35: {  	s1 =	sand.u32 @!p0 $0x180, s1;
	p1 =	por !p1, p0;
	s3 =	sand.u32 @!p0 s3, s13  }
0x36: {  	s2 =	simm.s32 @p1 $0xF20;
	p1 =	sgt.s32 @!p0 s12, $0x3;
	s0 =	sor.u32 @!p0 s1, s0  }
0x37: {  	s1 =	ssub.s32 @!p0 s2, s3;
	p1 =	por !p1, p0;
	s2 =	smov.u32 s12  }
0x38: {  	s3 =	sshra.s32 @!p0 s12, $0x1F;
	s2 =	simm.s32 @p1 $0x3;
	p1 =	sgt.s32 @!p0 s10, $0x380  }
0x39: {  	s6 =	sshra.s32 @!p0 s10, $0x1F;
	s3 =	sand.u32 @!p0 s3, s12;
	p1 =	por !p1, p0  }
0x3a: {  	s2 =	ssub.s32 @!p0 s2, s3;
	s3 =	sand.u32 @!p0 s6, s10;
	s6 =	sadd.s32 @!p0 $0xFFFFF0E0, s1  }
0x3b: {  	s1 =	ssub.s32 @!p0 $0xFA0, s1;
	s4 =	simm.s32 @p1 $0x380;
	p1 =	sgt.s32 @!p0 s6, $0x7F  }
0x3c: {  	s3 =	ssub.s32 @!p0 s4, s3;
	s4 =	sadd.s32 @!p0 $0xFFFFFFFD, s2;
	p1 =	por !p1, p0  }
0x3d: {  	s2 =	ssub.s32 @!p0 $0x4, s2;
	p2 =	sgt.s32 @!p0 s4, $0x0;
	s4 =	sadd.s32 @!p0 $0xFFFFFC80, s3  }
0x3e: {  	p3 =	sgt.s32 @!p0 s4, $0x7F;
	s4 =	sshll.u32 @!p0 s10, $0x2;
	p2 =	por !p2, p0  }
0x3f: {  	s1 =	simm.s32 @!p1 $0x0;
	s2 =	simm.s32 @!p2 $0x0;
	s4 =	sand.u32 @!p0 $0x200, s4  }
0x40: {  	p1 =	por !p3, p0;
	s1 =	smul.u32 @!p0 s1, s2;
	s2 =	ssub.s32 @!p0 $0x400, s3  }
0x41: {  	s3 =	sxor.u32 @!p0 $0xFFFFFFFF, s8;
	s0 =	sor.u32 @!p0 s4, s0;
	s2 =	simm.s32 @!p1 $0x0  }
0x42: {  	s4 =	sshrl.u32 @!p0 s10, $0x1;
	s1 =	smul.u32 @!p0 s2, s1;
	s2 =	sshll.u32 @!p0 s13, $0x9  }
0x43: {  	s3 =	sshll.u32 @!p0 s3, $0xE;
	s4 =	sand.u32 @!p0 $0x180, s4;
	s2 =	sadd.s32 @!p0 s5, s2  }
0x44: {  	s0 =	sshrl.u32 @!p0 s0, $0x3;
	s2 =	sadd.s32 @!p0 s4, s2;
	s4 =	sand.u32 @!p0 $0x7, s10  }
0x45: {  	s3 =	sand.u32 @!p0 $0x4000, s3;
	s1 =	sand.u32 @!p0 $0x3FFFFFFF, s1;
	s4 =	sshll.u32 @!p0 s4, $0x12  }
0x46: {  	s0 =	sadd.s32 @!p0 s0, s2;
	s2 =	sor.u32 @!p0 $0x80, s4;
	s4 =	simm.s32 @!p0 $0x1000  }
0x47: {  	[tilespmem:s3], [sflag:$0x1] =	stream.strided.gather @!p0 [hbm4b:s0+s2], s1, s4, s2, $0x38;
	[tilespmem:$0x10000] =	vst v63  }
0x48: {  	p0 =	seq.s32 s8, $0x0  }
0x49: {  	p1 =	seq.s32 @!p0 s8, $0x19  }
0x4a: {  	p0 =	por p0, p1  }
.Ltmp2:
0x4b: {  	_ = 	snop;
	(pc) =	sbr.rel @p0 .LBB1_15-.Ltmp2, $1  }
0x4c: {  	_ =	sdelay $0x3  }
0x4d: {  	p0 =	sgt.s32 s11, $0xF20;
	s0 =	smov.u32 s11  }
0x4e: {  	s1 =	sshra.s32 s11, $0x1F;
	s23 =	ssub.s32 $0x0, s9;
	s2 =	sshra.s32 s9, $0x1F  }
0x4f: {  	p1 =	sgt.s32 s7, $0x380;
	s3 =	smov.u32 s7;
	s4 =	sshra.s32 s7, $0x1F  }
0x50: {  	s6 =	smov.u32 s9;
	s0 =	simm.s32 @!p0 $0xF20;
	s1 =	sand.u32 s1, s11  }
0x51: {  	s3 =	simm.s32 @!p1 $0x380;
	p1 =	sgt.s32 s9, $0x3;
	s4 =	sand.u32 s4, s7  }
0x52: {  	s19 =	sand.u32 s23, s2;
	s2 =	sadd.s32 $0x80, s11;
	s0 =	ssub.s32 s0, s1  }
0x53: {  	s6 =	simm.s32 @!p1 $0x3;
	s24 =	ssub.s32 s3, s4;
	s3 =	sadd.s32 $0x1, s9  }
0x54: {  	s1 =	sadd.s32 $0xFFFFF0E0, s0;
	s17 =	ssub.s32 $0xFA0, s0;
	s25 =	sadd.s32 s19, s6  }
0x55: {  	s26 =	sadd.s32 $0xFFFFFC80, s24;
	p0 =	sgt.s32 s1, $0x7F;
	s27 =	sadd.s32 $0xFFFFFFFD, s25  }
0x56: {  	s0 =	ssub.s32 $0x4, s25;
	s17 =	simm.s32 @p0 $0x0;
	p0 =	sgt.s32 s27, $0x0  }
0x57: {  	s18 =	ssub.s32 $0x400, s24;
	s0 =	simm.s32 @p0 $0x0;
	p0 =	slt.s32 s2, $0xFA0  }
0x58: {  	p1 =	sgt.s32 s26, $0x7F;
	s2 =	simm.s32 @!p0 $0xFA0;
	p0 =	slt.s32 s3, $0x3  }
0x59: {  	s18 =	simm.s32 @p1 $0x0;
	s21 =	ssub.s32 s2, s11;
	s3 =	simm.s32 @!p0 $0x3  }
0x5a: {  	s28 =	smul.u32 s17, s18;
	s22 =	ssub.s32 s3, s9;
	p0 =	slt.s32 s21, $0x1  }
0x5b: {  	p1 =	slt.s32 @!p0 s22, $0x1  }
0x5c: {  	s0 =	smul.u32 s0, s28;
	p1 =	por p0, p1  }
.Ltmp3:
0x5d: {  	_ = 	snop;
	(pc) =	sbr.rel @p1 .LBB1_14-.Ltmp3, $4  }
0x5e: {  	s30 =	simm.s32 $0x1;
	s0 =	sand.u32 $0x3FFFFFFF, s0  }
0x5f: {  	_ =	swait.ge [sflag:s30], s0  }
0x60: {  	s31 =	sshll.u32 s8, $0xE;
	s29 =	ssub.s32 $0x0, s0;
	[sflag:s30] =	ssyncset.done $0x0  }
0x61: {  	s20 =	sand.u32 $0x4000, s31;
	[sflag:s30] =	ssyncadd.s32 s29  }
0x62: {  	s0 =	sadd.s32 $0x80, s7  }
0x63: {  	p1 =	slt.s32 s0, $0x400  }
.Ltmp4:
0x64: {  	s0 =	simm.s32 @!p1 $0x400;
	(pc) =	sbr.rel .LBB1_4-.Ltmp4, $4  }
0x65: {  	s25 =	sor.u32 @!p0 $0x8000, s20;
	s0 =	ssub.s32 s0, s7  }
0x66: {  	s27 =	simm.s32 $0x0;
	s3 =	simm.s32 $0x400;
	s0 =	sadd.s32 $0xF, s0  }
0x67: {  	s23 =	sand.u32 $0xFFFFFFF0, s0;
	s24 =	sand.u32 @!p0 $0xFFFFFF00, s0;
	s1 =	sshll.u32 s0, $0x3  }
0x68: {  	p0 =	slt.s32 s0, $0x100;
	s26 =	sand.u32 $0xFFFFF800, s1;
	p1 =	sge.s32 s24, s23  }
.LBB1_13:
0x69: {  	s27 =	sadd.s32 $0x1, s27  }
0x6a: {  	p2 =	sne.s32 s27, s21  }
.Ltmp5:
0x6b: {  	_ = 	snop;
	(pc) =	sbr.rel @!p2 .LBB1_14-.Ltmp5, $2  }
0x6c: {  	_ =	sdelay $0x2  }
0x6d: {  	s3 =	sadd.s32 $0x80, s3  }
.LBB1_4:
.Ltmp6:
0x6e: {  	(pc) =	sbr.rel .LBB1_5-.Ltmp6, $4  }
0x6f: {  	_ = 	snop  }
0x70: {  	s29 =	sshll.u32 s27, $0x7  }
0x71: {  	s0 =	sand.u32 $0x380, s29  }
0x72: {  	s30 =	sadd.s32 s29, s20;
	s31 =	sadd.s32 s0, s25;
	s0 =	simm.s32 $0x0  }
.LBB1_12:
0x73: {  	s0 =	sadd.s32 $0x1, s0  }
0x74: {  	p2 =	sne.s32 s0, s22  }
.Ltmp7:
0x75: {  	_ = 	snop;
	(pc) =	sbr.rel @!p2 .LBB1_13-.Ltmp7, $1  }
0x76: {  	_ =	sdelay $0x3  }
.LBB1_5:
.Ltmp8:
0x77: {  	(pc) =	sbr.rel @p0 .LBB1_9-.Ltmp8, $2  }
0x78: {  	_ =	sdelay $0x2  }
0x79: {  	s1 =	sshll.u32 s0, $0x10  }
0x7a: {  	s2 =	sshll.u32 s0, $0x7  }
0x7b: {  	s4 =	sshra.s32 s1, $0x2;
	s2 =	sand.u32 $0x180, s2  }
0x7c: {  	s4 =	sadd.s32 s4, s31;
	s2 =	sadd.s32 s2, s30  }
0x7d: {  	v0 =	vmov s4;
	v6 =	vld [tilespmem:s2+$0x70]  }
0x7e: {  	v7 =	vld [tilespmem:s2+$0x0]  }
0x7f: {  	v8 =	vld [tilespmem:s2+$0x10]  }
0x80: {  	v1 =	vld [tilespmem:s2+$0x20]  }
0x81: {  	s5 =	sadd.s32 $0xFFFFFC00, s3;
	s6 =	sand.u32 $0x3C00, s3;
	v2 =	vld [tilespmem:s2+$0x30]  }
0x82: {  	s4 =	sand.u32 $0x3C00, s5;
	v3 =	vld [tilespmem:s2+$0x40];
	[tilespmem:v0+s6+$0x70 ss:$0x1] =	vst.idx.msk $0xffff, v6  }
0x83: {  	v5 =	vld [tilespmem:s2+$0x50];
	[tilespmem:v0+s4+$0x0 ss:$0x1] =	vst.idx.msk $0xffff, v7  }
0x84: {  	v4 =	vld [tilespmem:s2+$0x60];
	[tilespmem:v0+s4+$0x10 ss:$0x1] =	vst.idx.msk $0xffff, v8  }
0x85: {  	[tilespmem:v0+s4+$0x20 ss:$0x1] =	vst.idx.msk $0xffff, v1  }
0x86: {  	[tilespmem:v0+s4+$0x30 ss:$0x1] =	vst.idx.msk $0xffff, v2  }
0x87: {  	p2 =	sgt.s32 s24, $0x100;
	[tilespmem:v0+s4+$0x40 ss:$0x1] =	vst.idx.msk $0xffff, v3  }
.Ltmp9:
0x88: {  	[tilespmem:v0+s4+$0x50 ss:$0x1] =	vst.idx.msk $0xffff, v5;
	(pc) =	sbr.rel @!p2 .LBB1_8-.Ltmp9, $4  }
0x89: {  	[tilespmem:v0+s4+$0x60 ss:$0x1] =	vst.idx.msk $0xffff, v4  }
0x8a: {  	[tilespmem:v0+s4+$0x70 ss:$0x1] =	vst.idx.msk $0xffff, v6  }
0x8b: {  	[tilespmem:v0+s6+$0x0 ss:$0x1] =	vst.idx.msk $0xffff, v7  }
0x8c: {  	s28 =	smov.u32 s3;
	s4 =	simm.s32 $0x100;
	[tilespmem:v0+s6+$0x10 ss:$0x1] =	vst.idx.msk $0xffff, v8  }
.LBB1_7:
0x8d: {  	v6 =	vld [tilespmem:s2+$0x70];
	s4 =	sadd.s32 $0x100, s4;
	[tilespmem:v0+s6+$0x20 ss:$0x1] =	vst.idx.msk $0xffff, v1  }
0x8e: {  	v7 =	vld [tilespmem:s2+$0x0];
	p2 =	slt.s32 s4, s24;
	[tilespmem:v0+s6+$0x30 ss:$0x1] =	vst.idx.msk $0xffff, v2  }
0x8f: {  	v8 =	vld [tilespmem:s2+$0x10];
	[tilespmem:v0+s6+$0x40 ss:$0x1] =	vst.idx.msk $0xffff, v3  }
0x90: {  	s28 =	sadd.s32 $0x800, s28;
	v1 =	vld [tilespmem:s2+$0x20];
	[tilespmem:v0+s6+$0x50 ss:$0x1] =	vst.idx.msk $0xffff, v5  }
0x91: {  	s5 =	sadd.s32 $0xFFFFFC00, s28;
	v2 =	vld [tilespmem:s2+$0x30];
	[tilespmem:v0+s6+$0x60 ss:$0x1] =	vst.idx.msk $0xffff, v4;
	s6 =	sand.u32 $0x3C00, s28  }
0x92: {  	s5 =	sand.u32 $0x3C00, s5;
	v3 =	vld [tilespmem:s2+$0x40];
	[tilespmem:v0+s6+$0x70 ss:$0x1] =	vst.idx.msk $0xffff, v6  }
0x93: {  	[tilespmem:v0+s5+$0x0 ss:$0x1] =	vst.idx.msk $0xffff, v7;
	v5 =	vld [tilespmem:s2+$0x50]  }
0x94: {  	[tilespmem:v0+s5+$0x10 ss:$0x1] =	vst.idx.msk $0xffff, v8;
	v4 =	vld [tilespmem:s2+$0x60]  }
0x95: {  	[tilespmem:v0+s5+$0x20 ss:$0x1] =	vst.idx.msk $0xffff, v1  }
0x96: {  	[tilespmem:v0+s5+$0x30 ss:$0x1] =	vst.idx.msk $0xffff, v2  }
0x97: {  	[tilespmem:v0+s5+$0x40 ss:$0x1] =	vst.idx.msk $0xffff, v3  }
.Ltmp10:
0x98: {  	[tilespmem:v0+s5+$0x50 ss:$0x1] =	vst.idx.msk $0xffff, v5;
	(pc) =	sbr.rel @p2 .LBB1_7-.Ltmp10, $4  }
0x99: {  	[tilespmem:v0+s5+$0x60 ss:$0x1] =	vst.idx.msk $0xffff, v4  }
0x9a: {  	[tilespmem:v0+s5+$0x70 ss:$0x1] =	vst.idx.msk $0xffff, v6  }
0x9b: {  	[tilespmem:v0+s6+$0x0 ss:$0x1] =	vst.idx.msk $0xffff, v7  }
0x9c: {  	[tilespmem:v0+s6+$0x10 ss:$0x1] =	vst.idx.msk $0xffff, v8  }
.LBB1_8:
0x9d: {  	_ =	sdelay $0x3  }
0x9e: {  	[tilespmem:v0+s6+$0x20 ss:$0x1] =	vst.idx.msk $0xffff, v1  }
0x9f: {  	[tilespmem:v0+s6+$0x30 ss:$0x1] =	vst.idx.msk $0xffff, v2  }
0xa0: {  	[tilespmem:v0+s6+$0x40 ss:$0x1] =	vst.idx.msk $0xffff, v3  }
0xa1: {  	[tilespmem:v0+s6+$0x50 ss:$0x1] =	vst.idx.msk $0xffff, v5  }
0xa2: {  	[tilespmem:v0+s6+$0x60 ss:$0x1] =	vst.idx.msk $0xffff, v4  }
.LBB1_9:
.Ltmp11:
0xa3: {  	(pc) =	sbr.rel @p1 .LBB1_12-.Ltmp11, $1  }
0xa4: {  	_ =	sdelay $0x3  }
0xa5: {  	s2 =	sand.u32 $0x3, s0  }
0xa6: {  	s2 =	sadd.s32 s27, s2  }
0xa7: {  	s2 =	sshll.u32 s2, $0x9  }
0xa8: {  	s2 =	sshra.s32 s2, $0x2  }
0xa9: {  	s2 =	sadd.s32 s2, s20  }
0xaa: {  	v0 =	vmov s2;
	_ =	sdelay $0x1  }
0xab: {  	s1 =	sshra.s32 s1, $0x2  }
0xac: {  	s4 =	smov.u32 s24;
	s1 =	sadd.s32 s1, s31;
	s2 =	smov.u32 s26  }
.LBB1_11:
0xad: {  	s5 =	sand.u32 $0x70, s4;
	s4 =	sadd.s32 $0x10, s4  }
0xae: {  	s6 =	sand.u32 $0x3C00, s2;
	v1 =	vld.idx.msk [tilespmem:v0+s5+$0x0 ss:$0x1], $0xffff;
	p2 =	slt.s32 s4, s23  }
.Ltmp12:
0xaf: {  	s6 =	sadd.s32 s29, s6;
	(pc) =	sbr.rel @p2 .LBB1_11-.Ltmp12, $4  }
0xb0: {  	s6 =	sand.u32 $0x3C00, s6  }
0xb1: {  	s6 =	sadd.s32 s6, s1  }
0xb2: {  	s5 =	sadd.s32 s5, s6  }
0xb3: {  	s2 =	sadd.s32 $0x80, s2;
	[tilespmem:s5+$0x0] =	vst v1  }
.Ltmp13:
0xb4: {  	_ = 	snop;
	(pc) =	sbr.rel .LBB1_12-.Ltmp13, $1  }
0xb5: {  	_ =	sdelay $0x3  }
.LBB1_16:
0xb6: {  	_ =	sfence.sel $0x180000  }
0xb7: {  	s0 =	simm.s32 $0x1;
	[bflag:$0x0] =	sbarrier.arrive $0xFFFF  }
0xb8: {  	s30 =	simm.s32 $0x2;
	[sflag:s0] =	ssyncpa.u1 $0x1  }
0xb9: {  	[sflag:s30] =	ssyncpa.u1 $0x1  }
0xba: {  	_ =	strace $0x90000047  }
0xbb: {  	s31 =	stileid.u32;
	[bflag:$0x2] =	sbarrier.arrive $0xFFFF  }
0xbc: {  	p0 =	sne.s32 s31, $0x0;
	s0 =	rddreg [dreg:$0x2]  }
0xbd: {  	s0 =	sadd.s32 @!p0 $0x100000, s0  }
0xbe: {  	[sflag:s0] =	ssyncadd.tile.s32 @!p0 $0x1;
	_ =	shalt  }
.Lfunc_end1:
_tile_overlayer_lowered:
.L_overlay_start_2:
0xbf: {  	(tag) =	ssettag $0x2  }
0xc0: {  	s0 =	rddreg [dreg:$0x0];
	s2 =	stileid.u32  }
0xc1: {  	s1 =	rddreg [dreg:$0x1];
	p0 =	sne.s32 s2, $0x0  }
0xc2: {  	s3 =	rddreg [dreg:$0x2];
	[bflag:$0x3] =	sbarrier.arrive $0xFFFF;
	s2 =	simm.s32 @!p0 $0x1C01  }
0xc3: {  	[timem:s3], [sflag:s2] =	dma.local @!p0 [hbm:s0], s1  }
0xc4: {  	s0 =	simm.s32 @!p0 $0x1  }
0xc5: {  	_ =	swait.ge @!p0 [sflag:s0], s1  }
0xc6: {  	s1 =	ssub.s32 @!p0 $0x0, s1;
	[sflag:s0] =	ssyncset.done @!p0 $0x0  }
0xc7: {  	[sflag:s0] =	ssyncadd.s32 @!p0 s1  }
0xc8: {  	[bflag:$0x3] =	sbarrier.arrive $0xFFFF  }
0xc9: {  	_ =	shalt  }

</sc_bundles>
